<compile_context>
chip_gen: v7x
topology: tpu7x:2x2x1
jax: 0.10.2.dev20260603
libtpu: 0.0.44.dev20260713+nightly
codegen_flags: <defaults>
</compile_context>

<pallas_src>
import functools

import jax
import jax.numpy as jnp
from jax import lax
from jax.experimental import pallas as pl
from jax.experimental.pallas import tpu as pltpu
from jax.experimental.pallas import tpu_sc as plsc

_NE = 1024
_D = 128
_N = 16 * 576
_BR = 1024
_LC = 128
_NC = _NE // _LC
_SCALE = 1.25 / (_N * _D)

_NW = 32
_BPW = _N // _NW


def _tc_body(x_ref, e_ref, idx_ref, loss_ref, e2_ref, b_ref, acc_ref):
    i = pl.program_id(0)

    @pl.when(i == 0)
    def _():
        e = e_ref[...]
        e2_ref[...] = e + e
        b_ref[...] = jnp.sum(e * e, axis=1)[None, :]
        acc_ref[0] = 0.0

    xb = x_ref[...]
    a = jnp.sum(xb * xb, axis=1, keepdims=True)
    b = b_ref[...]
    m2 = lax.dot_general(xb, e2_ref[...], (((1,), (1,)), ((), ())),
                         preferred_element_type=jnp.float32)
    d = (a + b) - m2
    v = d[:, 0:_LC]
    for k in range(1, _NC):
        v = jnp.minimum(v, d[:, k * _LC:(k + 1) * _LC])
    rowmin = jnp.min(v, axis=1, keepdims=True)
    col = lax.broadcasted_iota(jnp.int32, (_BR, _LC), 1).astype(jnp.float32)
    ii = jnp.where(d[:, 0:_LC] == rowmin, col, jnp.float32(_NE))
    for k in range(1, _NC):
        cand = jnp.where(d[:, k * _LC:(k + 1) * _LC] == rowmin,
                         col + jnp.float32(k * _LC), jnp.float32(_NE))
        ii = jnp.minimum(ii, cand)
    idx_ref[...] = (jnp.min(ii, axis=1).astype(jnp.int32)
                    .reshape(_BR // _LC, _LC))

    acc_ref[0] += jnp.sum(rowmin)

    @pl.when(i == pl.num_programs(0) - 1)
    def _():
        loss_ref[0] = acc_ref[0] * _SCALE


def _tc_distance_argmin(flat, emb):
    return pl.pallas_call(
        _tc_body,
        grid=(_N // _BR,),
        in_specs=[
            pl.BlockSpec((_BR, _D), lambda i: (i, 0)),
            pl.BlockSpec((_NE, _D), lambda i: (0, 0)),
        ],
        out_specs=[
            pl.BlockSpec((_BR // _LC, _LC), lambda i: (i, 0)),
            pl.BlockSpec(memory_space=pltpu.SMEM),
        ],
        out_shape=[
            jax.ShapeDtypeStruct((_N // _LC, _LC), jnp.int32),
            jax.ShapeDtypeStruct((1,), jnp.float32),
        ],
        scratch_shapes=[
            pltpu.VMEM((_NE, _D), jnp.float32),
            pltpu.VMEM((1, _NE), jnp.float32),
            pltpu.SMEM((1,), jnp.float32),
        ],
    )(flat, emb)


def _sc_gather(emb, idx):
    mesh = plsc.VectorSubcoreMesh(core_axis_name="c", subcore_axis_name="s")

    @functools.partial(
        pl.kernel,
        mesh=mesh,
        out_type=jax.ShapeDtypeStruct((_N, _D), jnp.float32),
        scratch_types=[
            pltpu.VMEM((_BPW,), jnp.int32),
            pltpu.VMEM((_BPW, _D), jnp.float32),
            pltpu.SemaphoreType.DMA,
        ],
    )
    def k(table_hbm, idx_hbm, out_hbm, idx_v, rows_v, sem):
        wid = lax.axis_index("s") * 2 + lax.axis_index("c")
        base = wid * _BPW
        pltpu.sync_copy(idx_hbm.at[pl.ds(base, _BPW)], idx_v)
        pltpu.async_copy(table_hbm.at[idx_v], rows_v, sem).wait()
        pltpu.sync_copy(rows_v, out_hbm.at[pl.ds(base, _BPW)])

    return k(emb, idx)


def kernel(inputs, embedding):
    flat = inputs.reshape(_N, _D)
    idx2, loss = _tc_distance_argmin(flat, embedding)
    idx = idx2.reshape(_N)
    qflat = _sc_gather(embedding, idx)
    return (loss[0], qflat.reshape(inputs.shape), idx)

# --- scband reference (transcript-rebuilt; emitter-appended) ---
"""Pipeline reference for scband-vector-quantizer-88725434401235 (READ-ONLY COPY).

The authoritative reference and input builder live on the scoring server;
editing this copy changes nothing except your own understanding.
"""

import jax, jax.numpy as jnp
import numpy as np

NUM_EMBEDDINGS = 1024
EMBEDDING_DIM = 128
COMMITMENT_COST = 0.25

def setup_inputs(seed: int = 0) -> dict:
    key = jax.random.key(seed)
    k1, k2 = jax.random.split(key)
    inputs = jax.random.normal(k1, (16, 576, 128), dtype=jnp.float32)
    embedding = jax.random.uniform(
        k2, (NUM_EMBEDDINGS, EMBEDDING_DIM), dtype=jnp.float32,
        minval=-1.0 / NUM_EMBEDDINGS, maxval=1.0 / NUM_EMBEDDINGS)
    return {"inputs": inputs, "embedding": embedding}

def reference(inputs, embedding):
    flat_inputs = inputs.reshape(-1, EMBEDDING_DIM)
    distances = (jnp.sum(flat_inputs ** 2, axis=1, keepdims=True)
                 + jnp.sum(embedding ** 2, axis=1)
                 - 2.0 * jnp.matmul(flat_inputs, embedding.T))
    encoding_indices = jnp.argmin(distances, axis=1)
    quantized = jnp.take(embedding, encoding_indices, axis=0).reshape(inputs.shape)
    e_latent_loss = jnp.mean((jax.lax.stop_gradient(quantized) - inputs) ** 2)
    q_latent_loss = jnp.mean((quantized - jax.lax.stop_gradient(inputs)) ** 2)
    loss = q_latent_loss + COMMITMENT_COST * e_latent_loss
    quantized = inputs + jax.lax.stop_gradient(quantized - inputs)
    return (loss, quantized, encoding_indices)

if __name__ == "__main__":
    import jax
    _d = setup_inputs()
    print(jax.jit(kernel)(*tuple(_d.values())))

</pallas_src>

<mosaic_0001>
#map = affine_map<(d0, d1) -> (0, 0)>
#map1 = affine_map<(d0, d1) -> (0)>
module attributes {stable_mosaic.version = 14 : i64} {
  func.func @k(%arg0: i32, %arg1: i32, %arg2: memref<1024x128xf32, #tpu.memory_space<hbm>>, %arg3: memref<9216xi32, #tpu.memory_space<hbm>>, %arg4: memref<9216x128xf32, #tpu.memory_space<hbm>>, %arg5: memref<288xi32, #tpu.memory_space<vmem>>, %arg6: memref<288x128xf32, #tpu.memory_space<vmem>>, %arg7: memref<!tpu.dma_semaphore, #tpu.memory_space<semaphore_mem>>) attributes {dimension_semantics = [#tpu.dimension_semantics<core_parallel>, #tpu.dimension_semantics<subcore_parallel>], iteration_bounds = array<i64: 2, 16>, scalar_prefetch = 0 : i64, scratch_operands = 3 : i64, tpu.core_type = #tpu.core_type<sc_vector_subcore>, window_params = [{transform_indices = #map}, {transform_indices = #map1}, {transform_indices = #map}]} {
    %mul3A = arith.constant 2 : i32
    %mul3A_0 = arith.muli %arg1, %mul3A : i32
    %add3A = arith.addi %mul3A_0, %arg0 : i32
    %mul3A_1 = arith.constant 288 : i32
    %mul3A_2 = arith.muli %add3A, %mul3A_1 : i32
    "tpu.region"() ({
      %run_scoped3A = tpu.sem_alloc : memref<!tpu.dma_semaphore, #tpu.memory_space<semaphore_mem>>
      %dma_start3A_7 = tpu.memref_slice %arg3[%mul3A_2] : memref<9216xi32, #tpu.memory_space<hbm>> -> memref<288xi32, #tpu.memory_space<hbm>>
      %dma_start3A_8 = tpu.memref_slice %arg3[%mul3A_2] : memref<9216xi32, #tpu.memory_space<hbm>> -> memref<288xi32, #tpu.memory_space<hbm>>
      tpu.enqueue_dma source(%dma_start3A_8 : memref<288xi32, #tpu.memory_space<hbm>>) target(%arg5 : memref<288xi32, #tpu.memory_space<vmem>>) target_semaphore(%run_scoped3A : memref<!tpu.dma_semaphore, #tpu.memory_space<semaphore_mem>>)
      %dma_wait3A_9 = tpu.memref_slice %arg3[%mul3A_2] : memref<9216xi32, #tpu.memory_space<hbm>> -> memref<288xi32, #tpu.memory_space<hbm>>
      %dma_wait3A_10 = tpu.memref_slice %arg3[%mul3A_2] : memref<9216xi32, #tpu.memory_space<hbm>> -> memref<288xi32, #tpu.memory_space<hbm>>
      tpu.wait_dma2 semaphore(%run_scoped3A : memref<!tpu.dma_semaphore, #tpu.memory_space<semaphore_mem>>) src(%dma_wait3A_10 : memref<288xi32, #tpu.memory_space<hbm>>) dst(%arg5 : memref<288xi32, #tpu.memory_space<vmem>>)
      tpu.yield
    }) : () -> ()
    %dma_start3A = arith.constant 0 : i32
    %dma_start3A_3 = arith.constant 0 : i32
    %dma_start3A_4 = tpu.memref_slice %arg2[%dma_start3A, %dma_start3A_3] : memref<1024x128xf32, #tpu.memory_space<hbm>> -> memref<1024x128xf32, #tpu.memory_space<hbm>>
    tpu.enqueue_indirect_dma source(%dma_start3A_4 : memref<1024x128xf32, #tpu.memory_space<hbm>>) target(%arg6 : memref<288x128xf32, #tpu.memory_space<vmem>>) offsets(%arg5 : memref<288xi32, #tpu.memory_space<vmem>>) semaphore(%arg7 : memref<!tpu.dma_semaphore, #tpu.memory_space<semaphore_mem>>)
    %dma_wait3A = arith.constant 0 : i32
    %dma_wait3A_5 = arith.constant 0 : i32
    %dma_wait3A_6 = tpu.memref_slice %arg2[%dma_wait3A, %dma_wait3A_5] : memref<1024x128xf32, #tpu.memory_space<hbm>> -> memref<1024x128xf32, #tpu.memory_space<hbm>>
    tpu.wait_indirect_dma semaphore(%arg7 : memref<!tpu.dma_semaphore, #tpu.memory_space<semaphore_mem>>) src(%dma_wait3A_6 : memref<1024x128xf32, #tpu.memory_space<hbm>>) dst(%arg6 : memref<288x128xf32, #tpu.memory_space<vmem>>)
    "tpu.region"() ({
      %run_scoped3A = tpu.sem_alloc : memref<!tpu.dma_semaphore, #tpu.memory_space<semaphore_mem>>
      %dma_start3A_7 = arith.constant 0 : i32
      %dma_start3A_8 = tpu.memref_slice %arg4[%mul3A_2, %dma_start3A_7] : memref<9216x128xf32, #tpu.memory_space<hbm>> -> memref<288x128xf32, #tpu.memory_space<hbm>>
      %dma_start3A_9 = arith.constant 0 : i32
      %dma_start3A_10 = tpu.memref_slice %arg4[%mul3A_2, %dma_start3A_9] : memref<9216x128xf32, #tpu.memory_space<hbm>> -> memref<288x128xf32, #tpu.memory_space<hbm>>
      tpu.enqueue_dma source(%arg6 : memref<288x128xf32, #tpu.memory_space<vmem>>) target(%dma_start3A_10 : memref<288x128xf32, #tpu.memory_space<hbm>>) target_semaphore(%run_scoped3A : memref<!tpu.dma_semaphore, #tpu.memory_space<semaphore_mem>>)
      %dma_wait3A_11 = arith.constant 0 : i32
      %dma_wait3A_12 = tpu.memref_slice %arg4[%mul3A_2, %dma_wait3A_11] : memref<9216x128xf32, #tpu.memory_space<hbm>> -> memref<288x128xf32, #tpu.memory_space<hbm>>
      %dma_wait3A_13 = arith.constant 0 : i32
      %dma_wait3A_14 = tpu.memref_slice %arg4[%mul3A_2, %dma_wait3A_13] : memref<9216x128xf32, #tpu.memory_space<hbm>> -> memref<288x128xf32, #tpu.memory_space<hbm>>
      tpu.wait_dma2 semaphore(%run_scoped3A : memref<!tpu.dma_semaphore, #tpu.memory_space<semaphore_mem>>) src(%arg6 : memref<288x128xf32, #tpu.memory_space<vmem>>) dst(%dma_wait3A_14 : memref<288x128xf32, #tpu.memory_space<hbm>>)
      tpu.yield
    }) : () -> ()
    return
  }
}

module attributes {stable_mosaic.version = 14 : i64} {
  func.func @_tc_body(%arg0: i32, %arg1: memref<1024x128xf32, #tpu.memory_space<vmem>>, %arg2: memref<1024x128xf32, #tpu.memory_space<vmem>>, %arg3: memref<8x128xi32, #tpu.memory_space<vmem>>, %arg4: memref<1xf32, #tpu.memory_space<smem>>, %arg5: memref<1024x128xf32, #tpu.memory_space<vmem>>, %arg6: memref<1x1024xf32, #tpu.memory_space<vmem>>, %arg7: memref<1xf32, #tpu.memory_space<smem>>) attributes {dimension_semantics = [#tpu.dimension_semantics<arbitrary>], iteration_bounds = array<i64: 9>, scalar_prefetch = 0 : i64, scratch_operands = 3 : i64, tpu.core_type = #tpu.core_type<tc>, window_params = [{transform_indices = @transform_0, window_bounds = array<i64: 1024, 128>}, {pipeline_mode = #tpu.pipeline_mode<synchronous>, transform_indices = @transform_1, window_bounds = array<i64: 1024, 128>}, {transform_indices = @transform_2, window_bounds = array<i64: 8, 128>}, {transform_indices = @transform_3, window_bounds = array<i64: 1>}]} {
    %eq3A = arith.constant 0 : i32
    %eq3A_0 = arith.cmpi eq, %arg0, %eq3A : i32
    %convert_element_type3A = arith.extui %eq3A_0 : i1 to i32
    %cond3A = arith.constant 0 : i32
    %cond3A_1 = arith.cmpi ne, %convert_element_type3A, %cond3A : i32
    scf.if %cond3A_1 {
      %get3A_124 = arith.constant 0 : index
      %get3A_125 = arith.constant 0 : index
      %get3A_126 = vector.load %arg2[%get3A_124, %get3A_125] : memref<1024x128xf32, #tpu.memory_space<vmem>>, vector<1024x128xf32>
      %add3A_127 = arith.addf %get3A_126, %get3A_126 : vector<1024x128xf32>
      %swap3A_128 = arith.constant 0 : index
      %swap3A_129 = arith.constant 0 : index
      %swap3A_130 = vector.load %arg5[%swap3A_128, %swap3A_129] : memref<1024x128xf32, #tpu.memory_space<vmem>>, vector<1024x128xf32>
      tpu.vector_store %arg5[%swap3A_128, %swap3A_129], %add3A_127 {strides = array<i32>} : memref<1024x128xf32, #tpu.memory_space<vmem>>, vector<1024x128xf32>,
      %mul3A_131 = arith.mulf %get3A_126, %get3A_126 : vector<1024x128xf32>
      %reduce_sum3A_132 = arith.constant dense<0.000000e+00> : vector<1024xf32>
      %reduce_sum3A_133 = vector.multi_reduction <add>, %mul3A_131, %reduce_sum3A_132 [1] : vector<1024x128xf32> to vector<1024xf32>
      %broadcast_in_dim3A_134 = vector.shape_cast %reduce_sum3A_133 : vector<1024xf32> to vector<1x1024xf32>
      %swap3A_135 = arith.constant 0 : index
      %swap3A_136 = arith.constant 0 : index
      %swap3A_137 = vector.load %arg6[%swap3A_135, %swap3A_136] : memref<1x1024xf32, #tpu.memory_space<vmem>>, vector<1x1024xf32>
      tpu.vector_store %arg6[%swap3A_135, %swap3A_136], %broadcast_in_dim3A_134 {strides = array<i32>} : memref<1x1024xf32, #tpu.memory_space<vmem>>, vector<1x1024xf32>,
      %swap3A_138 = arith.constant 0.000000e+00 : f32
      %swap3A_139 = arith.constant 0 : index
      %swap3A_140 = memref.load %arg7[%swap3A_139] : memref<1xf32, #tpu.memory_space<smem>>
      memref.store %swap3A_138, %arg7[%swap3A_139] : memref<1xf32, #tpu.memory_space<smem>>
    } else {
    }
    %get3A = arith.constant 0 : index
    %get3A_2 = arith.constant 0 : index
    %get3A_3 = vector.load %arg1[%get3A, %get3A_2] : memref<1024x128xf32, #tpu.memory_space<vmem>>, vector<1024x128xf32>
    %mul3A = arith.mulf %get3A_3, %get3A_3 : vector<1024x128xf32>
    %reduce_sum3A = arith.constant dense<0.000000e+00> : vector<1024xf32>
    %reduce_sum3A_4 = vector.multi_reduction <add>, %mul3A, %reduce_sum3A [1] : vector<1024x128xf32> to vector<1024xf32>
    %broadcast_in_dim3A = vector.shape_cast %reduce_sum3A_4 : vector<1024xf32> to vector<1024x1xf32>
    %get3A_5 = arith.constant 0 : index
    %get3A_6 = arith.constant 0 : index
    %get3A_7 = vector.load %arg6[%get3A_5, %get3A_6] : memref<1x1024xf32, #tpu.memory_space<vmem>>, vector<1x1024xf32>
    %get3A_8 = arith.constant 0 : index
    %get3A_9 = arith.constant 0 : index
    %get3A_10 = vector.load %arg5[%get3A_8, %get3A_9] : memref<1024x128xf32, #tpu.memory_space<vmem>>, vector<1024x128xf32>
    %dot_general3A = arith.constant dense<0.000000e+00> : vector<1024x1024xf32>
    %dot_general3A_11 = tpu.matmul %get3A_3, %get3A_10, %dot_general3A {dimension_numbers = #tpu.dot_dimension_numbers<[1], [1], [0], [0], [0, 0, 1, 0], [], []>, transpose_lhs_hint = false} : vector<1024x128xf32>, vector<1024x128xf32>, vector<1024x1024xf32> -> vector<1024x1024xf32>
    %add3A = vector.broadcast %broadcast_in_dim3A : vector<1024x1xf32> to vector<1024x1024xf32>
    %add3A_12 = vector.broadcast %get3A_7 : vector<1x1024xf32> to vector<1024x1024xf32>
    %add3A_13 = arith.addf %add3A, %add3A_12 : vector<1024x1024xf32>
    %sub3A = arith.subf %add3A_13, %dot_general3A_11 : vector<1024x1024xf32>
    %slice3A = vector.extract_strided_slice %sub3A {offsets = [0, 0], sizes = [1024, 128], strides = [1, 1]} : vector<1024x1024xf32> to vector<1024x128xf32>
    %slice3A_14 = vector.extract_strided_slice %sub3A {offsets = [0, 128], sizes = [1024, 128], strides = [1, 1]} : vector<1024x1024xf32> to vector<1024x128xf32>
    %min3A = arith.minimumf %slice3A, %slice3A_14 : vector<1024x128xf32>
    %slice3A_15 = vector.extract_strided_slice %sub3A {offsets = [0, 256], sizes = [1024, 128], strides = [1, 1]} : vector<1024x1024xf32> to vector<1024x128xf32>
    %min3A_16 = arith.minimumf %min3A, %slice3A_15 : vector<1024x128xf32>
    %slice3A_17 = vector.extract_strided_slice %sub3A {offsets = [0, 384], sizes = [1024, 128], strides = [1, 1]} : vector<1024x1024xf32> to vector<1024x128xf32>
    %min3A_18 = arith.minimumf %min3A_16, %slice3A_17 : vector<1024x128xf32>
    %slice3A_19 = vector.extract_strided_slice %sub3A {offsets = [0, 512], sizes = [1024, 128], strides = [1, 1]} : vector<1024x1024xf32> to vector<1024x128xf32>
    %min3A_20 = arith.minimumf %min3A_18, %slice3A_19 : vector<1024x128xf32>
    %slice3A_21 = vector.extract_strided_slice %sub3A {offsets = [0, 640], sizes = [1024, 128], strides = [1, 1]} : vector<1024x1024xf32> to vector<1024x128xf32>
    %min3A_22 = arith.minimumf %min3A_20, %slice3A_21 : vector<1024x128xf32>
    %slice3A_23 = vector.extract_strided_slice %sub3A {offsets = [0, 768], sizes = [1024, 128], strides = [1, 1]} : vector<1024x1024xf32> to vector<1024x128xf32>
    %min3A_24 = arith.minimumf %min3A_22, %slice3A_23 : vector<1024x128xf32>
    %slice3A_25 = vector.extract_strided_slice %sub3A {offsets = [0, 896], sizes = [1024, 128], strides = [1, 1]} : vector<1024x1024xf32> to vector<1024x128xf32>
    %min3A_26 = arith.minimumf %min3A_24, %slice3A_25 : vector<1024x128xf32>
    %reduce_min3A = arith.constant dense<0x7F800000> : vector<1024xf32>
    %reduce_min3A_27 = vector.multi_reduction <minimumf>, %min3A_26, %reduce_min3A [1] : vector<1024x128xf32> to vector<1024xf32>
    %broadcast_in_dim3A_28 = vector.shape_cast %reduce_min3A_27 : vector<1024xf32> to vector<1024x1xf32>
    %iota3A = tpu.iota {dimensions = array<i32: 1>} : vector<1024x128xi32>
    %convert_element_type3A_29 = arith.sitofp %iota3A : vector<1024x128xi32> to vector<1024x128xf32>
    %slice3A_30 = vector.extract_strided_slice %sub3A {offsets = [0, 0], sizes = [1024, 128], strides = [1, 1]} : vector<1024x1024xf32> to vector<1024x128xf32>
    %eq3A_31 = vector.broadcast %broadcast_in_dim3A_28 : vector<1024x1xf32> to vector<1024x128xf32>
    %eq3A_32 = arith.cmpf oeq, %slice3A_30, %eq3A_31 : vector<1024x128xf32>
    %jit3A = arith.constant 1.024000e+03 : f32
    %broadcast_in_dim3A_33 = vector.broadcast %jit3A : f32 to vector<1024x128xf32>
    %select_n3A = arith.select %eq3A_32, %convert_element_type3A_29, %broadcast_in_dim3A_33 : vector<1024x128xi1>, vector<1024x128xf32>
    %slice3A_34 = vector.extract_strided_slice %sub3A {offsets = [0, 128], sizes = [1024, 128], strides = [1, 1]} : vector<1024x1024xf32> to vector<1024x128xf32>
    %eq3A_35 = vector.broadcast %broadcast_in_dim3A_28 : vector<1024x1xf32> to vector<1024x128xf32>
    %eq3A_36 = arith.cmpf oeq, %slice3A_34, %eq3A_35 : vector<1024x128xf32>
    %add3A_37 = arith.constant 1.280000e+02 : f32
    %add3A_38 = vector.broadcast %add3A_37 : f32 to vector<1024x128xf32>
    %add3A_39 = arith.addf %convert_element_type3A_29, %add3A_38 : vector<1024x128xf32>
    %jit3A_40 = arith.constant 1.024000e+03 : f32
    %broadcast_in_dim3A_41 = vector.broadcast %jit3A_40 : f32 to vector<1024x128xf32>
    %select_n3A_42 = arith.select %eq3A_36, %add3A_39, %broadcast_in_dim3A_41 : vector<1024x128xi1>, vector<1024x128xf32>
    %min3A_43 = arith.minimumf %select_n3A, %select_n3A_42 : vector<1024x128xf32>
    %slice3A_44 = vector.extract_strided_slice %sub3A {offsets = [0, 256], sizes = [1024, 128], strides = [1, 1]} : vector<1024x1024xf32> to vector<1024x128xf32>
    %eq3A_45 = vector.broadcast %broadcast_in_dim3A_28 : vector<1024x1xf32> to vector<1024x128xf32>
    %eq3A_46 = arith.cmpf oeq, %slice3A_44, %eq3A_45 : vector<1024x128xf32>
    %add3A_47 = arith.constant 2.560000e+02 : f32
    %add3A_48 = vector.broadcast %add3A_47 : f32 to vector<1024x128xf32>
    %add3A_49 = arith.addf %convert_element_type3A_29, %add3A_48 : vector<1024x128xf32>
    %jit3A_50 = arith.constant 1.024000e+03 : f32
    %broadcast_in_dim3A_51 = vector.broadcast %jit3A_50 : f32 to vector<1024x128xf32>
    %select_n3A_52 = arith.select %eq3A_46, %add3A_49, %broadcast_in_dim3A_51 : vector<1024x128xi1>, vector<1024x128xf32>
    %min3A_53 = arith.minimumf %min3A_43, %select_n3A_52 : vector<1024x128xf32>
    %slice3A_54 = vector.extract_strided_slice %sub3A {offsets = [0, 384], sizes = [1024, 128], strides = [1, 1]} : vector<1024x1024xf32> to vector<1024x128xf32>
    %eq3A_55 = vector.broadcast %broadcast_in_dim3A_28 : vector<1024x1xf32> to vector<1024x128xf32>
    %eq3A_56 = arith.cmpf oeq, %slice3A_54, %eq3A_55 : vector<1024x128xf32>
    %add3A_57 = arith.constant 3.840000e+02 : f32
    %add3A_58 = vector.broadcast %add3A_57 : f32 to vector<1024x128xf32>
    %add3A_59 = arith.addf %convert_element_type3A_29, %add3A_58 : vector<1024x128xf32>
    %jit3A_60 = arith.constant 1.024000e+03 : f32
    %broadcast_in_dim3A_61 = vector.broadcast %jit3A_60 : f32 to vector<1024x128xf32>
    %select_n3A_62 = arith.select %eq3A_56, %add3A_59, %broadcast_in_dim3A_61 : vector<1024x128xi1>, vector<1024x128xf32>
    %min3A_63 = arith.minimumf %min3A_53, %select_n3A_62 : vector<1024x128xf32>
    %slice3A_64 = vector.extract_strided_slice %sub3A {offsets = [0, 512], sizes = [1024, 128], strides = [1, 1]} : vector<1024x1024xf32> to vector<1024x128xf32>
    %eq3A_65 = vector.broadcast %broadcast_in_dim3A_28 : vector<1024x1xf32> to vector<1024x128xf32>
    %eq3A_66 = arith.cmpf oeq, %slice3A_64, %eq3A_65 : vector<1024x128xf32>
    %add3A_67 = arith.constant 5.120000e+02 : f32
    %add3A_68 = vector.broadcast %add3A_67 : f32 to vector<1024x128xf32>
    %add3A_69 = arith.addf %convert_element_type3A_29, %add3A_68 : vector<1024x128xf32>
    %jit3A_70 = arith.constant 1.024000e+03 : f32
    %broadcast_in_dim3A_71 = vector.broadcast %jit3A_70 : f32 to vector<1024x128xf32>
    %select_n3A_72 = arith.select %eq3A_66, %add3A_69, %broadcast_in_dim3A_71 : vector<1024x128xi1>, vector<1024x128xf32>
    %min3A_73 = arith.minimumf %min3A_63, %select_n3A_72 : vector<1024x128xf32>
    %slice3A_74 = vector.extract_strided_slice %sub3A {offsets = [0, 640], sizes = [1024, 128], strides = [1, 1]} : vector<1024x1024xf32> to vector<1024x128xf32>
    %eq3A_75 = vector.broadcast %broadcast_in_dim3A_28 : vector<1024x1xf32> to vector<1024x128xf32>
    %eq3A_76 = arith.cmpf oeq, %slice3A_74, %eq3A_75 : vector<1024x128xf32>
    %add3A_77 = arith.constant 6.400000e+02 : f32
    %add3A_78 = vector.broadcast %add3A_77 : f32 to vector<1024x128xf32>
    %add3A_79 = arith.addf %convert_element_type3A_29, %add3A_78 : vector<1024x128xf32>
    %jit3A_80 = arith.constant 1.024000e+03 : f32
    %broadcast_in_dim3A_81 = vector.broadcast %jit3A_80 : f32 to vector<1024x128xf32>
    %select_n3A_82 = arith.select %eq3A_76, %add3A_79, %broadcast_in_dim3A_81 : vector<1024x128xi1>, vector<1024x128xf32>
    %min3A_83 = arith.minimumf %min3A_73, %select_n3A_82 : vector<1024x128xf32>
    %slice3A_84 = vector.extract_strided_slice %sub3A {offsets = [0, 768], sizes = [1024, 128], strides = [1, 1]} : vector<1024x1024xf32> to vector<1024x128xf32>
    %eq3A_85 = vector.broadcast %broadcast_in_dim3A_28 : vector<1024x1xf32> to vector<1024x128xf32>
    %eq3A_86 = arith.cmpf oeq, %slice3A_84, %eq3A_85 : vector<1024x128xf32>
    %add3A_87 = arith.constant 7.680000e+02 : f32
    %add3A_88 = vector.broadcast %add3A_87 : f32 to vector<1024x128xf32>
    %add3A_89 = arith.addf %convert_element_type3A_29, %add3A_88 : vector<1024x128xf32>
    %jit3A_90 = arith.constant 1.024000e+03 : f32
    %broadcast_in_dim3A_91 = vector.broadcast %jit3A_90 : f32 to vector<1024x128xf32>
    %select_n3A_92 = arith.select %eq3A_86, %add3A_89, %broadcast_in_dim3A_91 : vector<1024x128xi1>, vector<1024x128xf32>
    %min3A_93 = arith.minimumf %min3A_83, %select_n3A_92 : vector<1024x128xf32>
    %slice3A_94 = vector.extract_strided_slice %sub3A {offsets = [0, 896], sizes = [1024, 128], strides = [1, 1]} : vector<1024x1024xf32> to vector<1024x128xf32>
    %eq3A_95 = vector.broadcast %broadcast_in_dim3A_28 : vector<1024x1xf32> to vector<1024x128xf32>
    %eq3A_96 = arith.cmpf oeq, %slice3A_94, %eq3A_95 : vector<1024x128xf32>
    %add3A_97 = arith.constant 8.960000e+02 : f32
    %add3A_98 = vector.broadcast %add3A_97 : f32 to vector<1024x128xf32>
    %add3A_99 = arith.addf %convert_element_type3A_29, %add3A_98 : vector<1024x128xf32>
    %jit3A_100 = arith.constant 1.024000e+03 : f32
    %broadcast_in_dim3A_101 = vector.broadcast %jit3A_100 : f32 to vector<1024x128xf32>
    %select_n3A_102 = arith.select %eq3A_96, %add3A_99, %broadcast_in_dim3A_101 : vector<1024x128xi1>, vector<1024x128xf32>
    %min3A_103 = arith.minimumf %min3A_93, %select_n3A_102 : vector<1024x128xf32>
    %reduce_min3A_104 = arith.constant dense<0x7F800000> : vector<1024xf32>
    %reduce_min3A_105 = vector.multi_reduction <minimumf>, %min3A_103, %reduce_min3A_104 [1] : vector<1024x128xf32> to vector<1024xf32>
    %convert_element_type3A_106 = arith.fptosi %reduce_min3A_105 : vector<1024xf32> to vector<1024xi32>
    %reshape3A = vector.shape_cast %convert_element_type3A_106 : vector<1024xi32> to vector<8x128xi32>
    %swap3A = arith.constant 0 : index
    %swap3A_107 = arith.constant 0 : index
    %swap3A_108 = vector.load %arg3[%swap3A, %swap3A_107] : memref<8x128xi32, #tpu.memory_space<vmem>>, vector<8x128xi32>
    tpu.vector_store %arg3[%swap3A, %swap3A_107], %reshape3A {strides = array<i32>} : memref<8x128xi32, #tpu.memory_space<vmem>>, vector<8x128xi32>,
    %get3A_109 = arith.constant 0 : index
    %get3A_110 = memref.load %arg7[%get3A_109] : memref<1xf32, #tpu.memory_space<smem>>
    %reduce_sum3A_111 = vector.shape_cast %broadcast_in_dim3A_28 : vector<1024x1xf32> to vector<1x1024x1xf32>
    %reduce_sum3A_112 = arith.constant dense<0.000000e+00> : vector<1xf32>
    %reduce_sum3A_113 = vector.multi_reduction <add>, %reduce_sum3A_111, %reduce_sum3A_112 [1, 2] : vector<1x1024x1xf32> to vector<1xf32>
    %reduce_sum3A_114 = vector.shape_cast %reduce_sum3A_113 : vector<1xf32> to vector<1x1x1xf32>
    %reduce_sum3A_115 = vector.extract %reduce_sum3A_114[0, 0, 0] : f32 from vector<1x1x1xf32>
    %add3A_116 = arith.addf %get3A_110, %reduce_sum3A_115 : f32
    %swap3A_117 = arith.constant 0 : index
    %swap3A_118 = memref.load %arg7[%swap3A_117] : memref<1xf32, #tpu.memory_space<smem>>
    memref.store %add3A_116, %arg7[%swap3A_117] : memref<1xf32, #tpu.memory_space<smem>>
    %eq3A_119 = arith.constant 8 : i32
    %eq3A_120 = arith.cmpi eq, %arg0, %eq3A_119 : i32
    %convert_element_type3A_121 = arith.extui %eq3A_120 : i1 to i32
    %cond3A_122 = arith.constant 0 : i32
    %cond3A_123 = arith.cmpi ne, %convert_element_type3A_121, %cond3A_122 : i32
    scf.if %cond3A_123 {
      %get3A_124 = arith.constant 0 : index
      %get3A_125 = memref.load %arg7[%get3A_124] : memref<1xf32, #tpu.memory_space<smem>>
      %mul3A_126 = arith.constant 1.05963818E-6 : f32
      %mul3A_127 = arith.mulf %get3A_125, %mul3A_126 : f32
      %swap3A_128 = arith.constant 0 : index
      %swap3A_129 = memref.load %arg4[%swap3A_128] : memref<1xf32, #tpu.memory_space<smem>>
      memref.store %mul3A_127, %arg4[%swap3A_128] : memref<1xf32, #tpu.memory_space<smem>>
    } else {
    }
    return
  }
  func.func @transform_0(%arg0: i32) -> (i32, i32) {
    %c0_i32 = arith.constant 0 : i32
    %c0_i32_0 = arith.constant 0 : i32
    return %arg0, %c0_i32 : i32, i32
  }
  func.func @transform_1(%arg0: i32) -> (i32, i32) {
    %c0_i32 = arith.constant 0 : i32
    %c0_i32_0 = arith.constant 0 : i32
    %c0_i32_1 = arith.constant 0 : i32
    return %c0_i32, %c0_i32_0 : i32, i32
  }
  func.func @transform_2(%arg0: i32) -> (i32, i32) {
    %c0_i32 = arith.constant 0 : i32
    %c0_i32_0 = arith.constant 0 : i32
    return %arg0, %c0_i32 : i32, i32
  }
  func.func @transform_3(%arg0: i32) -> i32 {
    %c0_i32 = arith.constant 0 : i32
    %c0_i32_0 = arith.constant 0 : i32
    return %c0_i32 : i32
  }
}

</mosaic_0001>

<sc_bundles>
// kernel: kernel.4.cloned.1.call-start
scs
__scs_entry_jumppad:
0x0: {  	(pc) =	sbr.rel $0x88, $3  }
0x1: {  	(tag) =	ssettag $0x0;
	lr =	simm.s32 $0x1  }
0x2: {  	[smem:$0x3F9F] =	sst lr;
	_ =	strace $0xD0000000  }
0x3: {  	_ = 	snop  }
0x4: {  	_ = 	snop  }
0x5: {  	_ = 	snop  }
0x6: {  	_ = 	snop  }
0x7: {  	_ = 	snop  }
__scs_overlays_trampoline_lowered:
0x8: {  	[smem:$0x3FAE] =	sst s0  }
0x9: {  	[smem:$0x3FAF] =	sst s1  }
0xa: {  	[smem:$0x3FB0] =	sst s2  }
0xb: {  	[smem:$0x3FB1] =	sst s3  }
0xc: {  	[smem:$0x3FB2] =	sst s4  }
0xd: {  	[smem:$0x3FB3] =	sst s5  }
0xe: {  	[smem:$0x3FB4] =	sst s6  }
0xf: {  	[smem:$0x3FB5] =	sst s7  }
0x10: {  	[smem:$0x3FB6] =	sst s8  }
0x11: {  	[smem:$0x3FB7] =	sst s9;
	s0 =	simm.s32 @!p0 $0x0  }
0x12: {  	s1 =	sld [smem:$0x3F9D];
	s0 =	simm.s32 @p0 $0x1  }
0x13: {  	[smem:$0x3FB8] =	sst s0;
	s0 =	simm.s32 @!p1 $0x0  }
0x14: {  	s2 =	sld [smem:$0x3F9C];
	s0 =	simm.s32 @p1 $0x1  }
0x15: {  	[smem:$0x3FB9] =	sst s0;
	s0 =	simm.s32 @!p2 $0x0  }
0x16: {  	s3 =	sld [smem:$0x3FDB];
	s0 =	simm.s32 @p2 $0x1  }
0x17: {  	s4 =	simm.s32 $0x1BF5;
	[smem:$0x3FBB] =	sst s0  }
0x18: {  	s0 =	sld [smem:$0x3F9E];
	_ =	swait.ge [sflag:s4], $0x0  }
0x19: {  	s7 =	sld [smem:$0x3F9F]  }
0x1a: {  	s8 =	sadd.s32 $0xFFFFE003, lr  }
0x1b: {  	s9 =	sadd.s32 $0xFFFFFEF7, lr;
	s5 =	simm.s32 $0xFFFFFFFF;
	p2 =	slt.u32 s8, $0xFFFFF086  }
0x1c: {  	p1 =	slt.u32 s9, $0xF7A;
	s5 =	simm.s32 @!p2 $0x0  }
0x1d: {  	s5 =	simm.s32 @p1 $0x1;
	p0 =	seq.s32 s7, s2  }
0x1e: {  	s7 =	smul.u32 @!p0 $0xF7A, s2;
	p2 =	seq.s32 @!p0 s5, $0x0  }
0x1f: {  	s9 =	smul.u32 $0xF7A, s1;
	s8 =	simm.s32 @!p0 $0x1BF5;
	p2 =	por !p2, p0  }
0x20: {  	[sflag:s8] =	ssyncset.s32 @!p0 $0xFFFFF086;
	s6 =	sadd.s32 @!p0 s3, s7;
	s7 =	simm.s32 @!p0 $0x108  }
0x21: {  	s3 =	sadd.s32 s3, s9;
	s6 =	sadd.s32 @!p0 $0x88, s6;
	s7 =	simm.s32 @p2 $0x1082  }
0x22: {  	[simem:s7], [sflag:s8] =	dma.local @!p0 [hbm:s6], $0xF7A  }
0x23: {  	s9 =	sor.u32 $0xD0000000, s2;
	s6 =	simm.s32 $0x108;
	_ =	swait.ge @!p0 [sflag:s8], $0x0  }
0x24: {  	s3 =	sadd.s32 $0x88, s3;
	s6 =	simm.s32 @!p1 $0x1082;
	[sflag:s4] =	ssyncset.s32 $0xFFFFF086  }
0x25: {  	[simem:s6], [sflag:s4] =	dma.local [hbm:s3], $0xF7A  }
0x26: {  	[smem:$0x3F9F] =	sst s1;
	(tag) =	ssettag s2;
	_ =	strace s9  }
0x27: {  	s1 =	sld [smem:$0x3FAF]  }
0x28: {  	s2 =	sld [smem:$0x3FB0]  }
0x29: {  	s4 =	sld [smem:$0x3FB2]  }
0x2a: {  	p0 =	seq.s32 s5, $0x0;
	s5 =	sld [smem:$0x3FB3]  }
0x2b: {  	s6 =	sld [smem:$0x3FB4]  }
0x2c: {  	s7 =	sld [smem:$0x3FB5]  }
0x2d: {  	s3 =	simm.s32 $0x108;
	s8 =	sld [smem:$0x3FB6]  }
0x2e: {  	s3 =	simm.s32 @!p0 $0x1082;
	s9 =	sld [smem:$0x3FB7]  }
0x2f: {  	lr =	sadd.s32 s0, s3;
	s0 =	sld [smem:$0x3FAE]  }
0x30: {  	s3 =	sld [smem:$0x3FB1]  }
0x31: {  	[smem:$0x3FBA] =	sst s10  }
0x32: {  	s10 =	sld [smem:$0x3FB8];
	_ =	sdelay $0x3  }
0x33: {  	p0 =	seq.s32 s10, $0x1;
	s10 =	sld [smem:$0x3FBA];
	_ =	sdelay $0x3  }
0x34: {  	[smem:$0x3FBA] =	sst s10  }
0x35: {  	s10 =	sld [smem:$0x3FB9];
	_ =	sdelay $0x3  }
0x36: {  	p1 =	seq.s32 s10, $0x1;
	s10 =	sld [smem:$0x3FBA];
	_ =	sdelay $0x3  }
0x37: {  	[smem:$0x3FBA] =	sst s10  }
0x38: {  	s10 =	sld [smem:$0x3FBB]  }
0x39: {  	_ = 	snop;
	(pc) =	sbr.ind lr, $3  }
0x3a: {  	_ = 	snop  }
0x3b: {  	_ = 	snop  }
0x3c: {  	p2 =	seq.s32 s10, $0x1;
	s10 =	sld [smem:$0x3FBA]  }
0x3d: {  	_ =	shalt  }
0x3e: {  	_ =	shalt  }
0x3f: {  	_ =	shalt  }
0x40: {  	_ =	shalt  }
0x41: {  	_ =	shalt  }
0x42: {  	_ =	shalt  }
0x43: {  	_ =	shalt  }
0x44: {  	_ =	shalt  }
0x45: {  	_ =	shalt  }
0x46: {  	_ =	shalt  }
0x47: {  	_ =	shalt  }
0x48: {  	_ =	shalt  }
0x49: {  	_ =	shalt  }
0x4a: {  	_ =	shalt  }
0x4b: {  	_ =	shalt  }
0x4c: {  	_ =	shalt  }
0x4d: {  	_ =	shalt  }
0x4e: {  	_ =	shalt  }
0x4f: {  	_ =	shalt  }
0x50: {  	_ =	shalt  }
0x51: {  	_ =	shalt  }
0x52: {  	_ =	shalt  }
0x53: {  	_ =	shalt  }
0x54: {  	_ =	shalt  }
0x55: {  	_ =	shalt  }
0x56: {  	_ =	shalt  }
0x57: {  	_ =	shalt  }
0x58: {  	_ =	shalt  }
0x59: {  	_ =	shalt  }
0x5a: {  	_ =	shalt  }
0x5b: {  	_ =	shalt  }
0x5c: {  	_ =	shalt  }
0x5d: {  	_ =	shalt  }
0x5e: {  	_ =	shalt  }
0x5f: {  	_ =	shalt  }
0x60: {  	_ =	shalt  }
0x61: {  	_ =	shalt  }
0x62: {  	_ =	shalt  }
0x63: {  	_ =	shalt  }
0x64: {  	_ =	shalt  }
0x65: {  	_ =	shalt  }
0x66: {  	_ =	shalt  }
0x67: {  	_ =	shalt  }
0x68: {  	_ =	shalt  }
0x69: {  	_ =	shalt  }
0x6a: {  	_ =	shalt  }
0x6b: {  	_ =	shalt  }
0x6c: {  	_ =	shalt  }
0x6d: {  	_ =	shalt  }
0x6e: {  	_ =	shalt  }
0x6f: {  	_ =	shalt  }
0x70: {  	_ =	shalt  }
0x71: {  	_ =	shalt  }
0x72: {  	_ =	shalt  }
0x73: {  	_ =	shalt  }
0x74: {  	_ =	shalt  }
0x75: {  	_ =	shalt  }
0x76: {  	_ =	shalt  }
0x77: {  	_ =	shalt  }
0x78: {  	_ =	shalt  }
0x79: {  	_ =	shalt  }
0x7a: {  	_ =	shalt  }
0x7b: {  	_ =	shalt  }
0x7c: {  	_ =	shalt  }
0x7d: {  	_ =	shalt  }
0x7e: {  	_ =	shalt  }
0x7f: {  	_ =	shalt  }
0x80: {  	_ =	shalt  }
0x81: {  	_ =	shalt  }
0x82: {  	_ =	shalt  }
0x83: {  	_ =	shalt  }
0x84: {  	_ =	shalt  }
0x85: {  	_ =	shalt  }
0x86: {  	_ =	shalt  }
0x87: {  	_ =	shalt  }
.Lfunc_end0:
.L_simem_size_0:
called_computation_lowered:
.L_overlay_start_0:
0x88: {  	s2 =	sld [smem:$0x3FD9]  }
0x89: {  	s3 =	sld [smem:$0x3FFE];
	_ =	sdelay $0x1  }
0x8a: {  	s1 =	srdreg.scid  }
0x8b: {  	s0 =	sand.u32 $0x1, s1  }
0x8c: {  	s15 =	sshll.u32 s0, $0xA;
	s2 =	sadd.s32 s3, s2  }
0x8d: {  	s2 =	sadd.s32 s2, s15  }
0x8e: {  	[smem:$0x3FC6] =	sst s2  }
0x8f: {  	_ = 	snop  }
0x90: {  	s2 =	sld [smem:$0x3FD0];
	_ =	sdelay $0x2  }
0x91: {  	s4 =	simm.s32 $0xA;
	s5 =	simm.s32 $0x10;
	s16 =	sld [smem:$0x3FC8]  }
0x92: {  	[smem:s5], [sflag:s4] =	dma.local [hbm:s2], $0x1  }
0x93: {  	_ =	swait.eq [sflag:s4], $0x1  }
0x94: {  	[sflag:s4] =	ssyncset.done $0x0  }
0x95: {  	s17 =	sld [smem:$0x11];
	[sflag:s4] =	ssyncadd.s32 $0xFFFFFFFF  }
0x96: {  	s18 =	sld [smem:$0x12];
	(tm) =	ssettm $0x1  }
0x97: {  	s19 =	sld [smem:$0x3FFB];
	_ =	sdelay $0x3  }
0x98: {  	_ =	strace s19  }
0x99: {  	s5 =	sld [smem:$0x3FFC];
	_ =	sdelay $0x3  }
0x9a: {  	_ =	strace s5  }
0x9b: {  	s5 =	sld [smem:$0x3FFD];
	_ =	sdelay $0x3  }
0x9c: {  	_ =	strace s5  }
0x9d: {  	_ =	strace $0x8FFFFFFF  }
0x9e: {  	s20 =	sld [smem:$0x3FDB];
	_ =	sdelay $0x1  }
0x9f: {  	s6 =	simm.s32 $_scs_section_size  }
0xa0: {  	s7 =	simm.s32 $_size__tile_overlayer_lowered;
	s8 =	simm.s32 $_tile_overlayer_lowered  }
0xa1: {  	s23 =	simm.s32 $0x1BFF;
	s22 =	sshll.u32 s8, $0x1;
	s5 =	sadd.s32 s6, s20  }
0xa2: {  	s9 =	simm.s32 $0x0;
	s21 =	sshll.u32 s7, $0x1;
	s7 =	sadd.s32 s22, s5  }
0xa3: {  	[timem:s9], [sflag:s23] =	dma.local [hbm:s7], s21  }
0xa4: {  	_ =	swait.ge [sflag:s23], s21  }
0xa5: {  	s6 =	ssub.s32 $0x0, s21;
	[sflag:s23] =	ssyncset.done $0x0  }
0xa6: {  	[sflag:s23] =	ssyncadd.s32 s6;
	_ =	sdelay $0x1  }
0xa7: {  	s24 =	simm.s32 $0x1B8B  }
0xa8: {  	_ =	swait.ge [sflag:s24], $0x1  }
0xa9: {  	[sflag:s24] =	ssyncset.done $0x0  }
0xaa: {  	s25 =	simm.s32 $0x1B8E;
	[sflag:s24] =	ssyncadd.s32 $0xFFFFFFFF  }
0xab: {  	s26 =	simm.s32 $execute0_lowered;
	[smem:$0x3FD2] =	sst s25  }
0xac: {  	s6 =	sshll.u32 s26, $0x1;
	_ =	strace $0x80000046;
	[dreg:$0x1] =	wrdreg $0xFFFFFFFF  }
0xad: {  	s28 =	simm.s32 $_size_execute0_lowered;
	s5 =	sadd.s32 s5, s6;
	[dreg:$0x0] =	wrdreg $0x0  }
0xae: {  	s6 =	sshll.u32 s28, $0x1;
	[dreg:$0x2] =	wrdreg s5  }
0xaf: {  	[dreg:$0x3] =	wrdreg s6  }
0xb0: {  	[dreg:$0x4] =	wrdreg $0xC0  }
0xb1: {  	_ =	task [dreg:s9], $0x5FFFF  }
0xb2: {  	[dreg:$0x1] =	wrdreg $0xFFFFFFFF  }
0xb3: {  	[dreg:$0x0] =	wrdreg $0x60  }
0xb4: {  	[dreg:$0x2] =	wrdreg s16  }
0xb5: {  	[dreg:$0x3] =	wrdreg s18  }
0xb6: {  	[dreg:$0x4] =	wrdreg s17  }
0xb7: {  	[dreg:$0x5] =	wrdreg $0x9  }
0xb8: {  	_ =	task.clear_ibuf [dreg:s9], $0x6FFFF;
	_ =	strace $0x90000046  }
0xb9: {  	s29 =	simm.s32 $0x9;
	_ =	strace $0x80000048  }
0xba: {  	_ =	swait.ge [sflag:s29], $0x1  }
0xbb: {  	[sflag:s29] =	ssyncadd.s32 $0xFFFFFFFF  }
0xbc: {  	_ =	strace $0x90000048  }
0xbd: {  	_ =	sfence  }
0xbe: {  	s30 =	sld [smem:$0x0];
	_ =	sdelay $0x2  }
0xbf: {  	s31 =	sshll.u32 s1, $0xD;
	s1 =	sshrl.u32 s1, $0x2  }
0xc0: {  	s3 =	sand.u32 $0x4000, s31;
	s1 =	sadd.s32 s1, s30  }
0xc1: {  	s0 =	sor.u32 s3, s0;
	s1 =	sshll.u32 s1, $0x11  }
0xc2: {  	s0 =	sor.u32 s1, s0  }
0xc3: {  	s0 =	sadd.s32 $0x8F2B, s0  }
0xc4: {  	[sflag:s0] =	ssyncadd.remote.s32 $0x1  }
0xc5: {  	_ =	sfence.sel $0xFFFF  }
0xc6: {  	[dreg:$0x0] =	wrdreg $0xFFFFFFFF;
	(pc) =	sbr.abs _section_cstart, $3  }
0xc7: {  	[dreg:$0x1] =	wrdreg $0xFFFFFFFF  }
0xc8: {  	_ =	task.clear_ibuf [dreg:s9], $0x2FFFF;
	_ =	strace $0x9FFFFFFF  }
0xc9: {  	(tm) =	ssettm $0x7FFFFFFF  }
tec
execute0_lowered:
.L_overlay_start_1:
0x0: {  	(tag) =	ssettag $0x1  }
0x1: {  	s1 =	rddreg [dreg:$0x0]  }
0x2: {  	s2 =	srdreg.scid;
	s0 =	stileid.u32  }
0x3: {  	s4 =	rddreg [dreg:$0x1];
	s6 =	sand.u32 $0x1, s2;
	s30 =	sshll.u32 s0, $0x1  }
0x4: {  	s9 =	rddreg [dreg:$0x2];
	s3 =	simm.s32 $0x0;
	s10 =	sor.u32 s6, s30  }
0x5: {  	[smem:$0x7FF] =	sst s3;
	s5 =	smul.u32 $0x24, s10  }
0x6: {  	s2 =	rddreg [dreg:$0x3];
	_ =	strace $0x80000047  }
0x7: {  	s11 =	ssub.s32 $0x2, s6;
	s5 =	sadd.s32 s4, s5;
	s4 =	simm.s32 $0x2  }
0x8: {  	[tilespmem:s3], [sflag:$0x2] =	stream.linear.gather [hbm4b:s5+s3], $0x120, $0x38;
	[tilespmem:$0x9180] =	vst v63  }
0x9: {  	s7 =	simm.s32 $0x180;
	s12 =	sshrl.u32 s11, $0x1;
	_ =	swait.ge [sflag:s4], $0x120  }
0xa: {  	s8 =	simm.s32 $0x1;
	s11 =	ssub.s32 s11, s12;
	[sflag:s4] =	ssyncset.done $0x0  }
0xb: {  	s6 =	simm.s32 $0x120;
	s31 =	smax.u32 s11, $0x1;
	[sflag:s4] =	ssyncadd.s32 $0xFFFFFEE0  }
0xc: {  	[tilespmem:s7], [sflag:$0x1] =	stream.indirect.gather [hbm4b:s1+s6], $0x80, s3, s6, $0xb8;
	[tilespmem:$0x9180] =	vst v63  }
0xd: {  	s10 =	smul.u32 $0x1200, s10;
	p0 =	sne.s32 s31, $0x1;
	_ =	swait.ge [sflag:s8], $0x9000  }
.Ltmp0:
0xe: {  	[sflag:s8] =	ssyncset.done $0x0;
	(pc) =	sbr.rel @!p0 .LBB2_2-.Ltmp0, $4  }
0xf: {  	s9 =	sadd.s32 s9, s10;
	[sflag:s8] =	ssyncadd.s32 $0xFFFF7000  }
0x10: {  	[hbm4b:s9+s3] =	stream.linear.scatter [tilespmem:s7], [sflag:$0x2], $0x9000, $0x38;
	[tilespmem:$0x9180] =	vst v63  }
0x11: {  	_ =	swait.ge [sflag:s4], $0x9000  }
0x12: {  	s10 =	sadd.s32 $0xFFFFFFFF, s31;
	[sflag:s4] =	ssyncset.done $0x0  }
.LBB2_1:
0x13: {  	p0 =	sne.s32 s10, $0x1;
	s10 =	sadd.s32 $0xFFFFFFFF, s10;
	[sflag:s4] =	ssyncadd.s32 $0xFFFF7000  }
0x14: {  	[tilespmem:s3], [sflag:$0x2] =	stream.linear.gather [hbm4b:s5+s3], $0x120, $0x38;
	[tilespmem:$0x9180] =	vst v63  }
0x15: {  	_ =	swait.ge [sflag:s4], $0x120  }
0x16: {  	[sflag:s4] =	ssyncset.done $0x0  }
0x17: {  	[sflag:s4] =	ssyncadd.s32 $0xFFFFFEE0  }
0x18: {  	[tilespmem:s7], [sflag:$0x1] =	stream.indirect.gather [hbm4b:s1+s6], $0x80, s3, s6, $0xb8;
	[tilespmem:$0x9180] =	vst v63  }
0x19: {  	_ =	swait.ge [sflag:s8], $0x9000  }
.Ltmp1:
0x1a: {  	[sflag:s8] =	ssyncset.done $0x0;
	(pc) =	sbr.rel @p0 .LBB2_1-.Ltmp1, $4  }
0x1b: {  	[sflag:s8] =	ssyncadd.s32 $0xFFFF7000  }
0x1c: {  	[hbm4b:s9+s3] =	stream.linear.scatter [tilespmem:s7], [sflag:$0x2], $0x9000, $0x38;
	[tilespmem:$0x9180] =	vst v63  }
0x1d: {  	_ =	swait.ge [sflag:s4], $0x9000  }
0x1e: {  	[sflag:s4] =	ssyncset.done $0x0  }
.LBB2_2:
0x1f: {  	[sflag:s4] =	ssyncadd.s32 $0xFFFF7000  }
0x20: {  	_ =	sfence.sel $0x180000  }
0x21: {  	[bflag:$0x0] =	sbarrier.arrive $0xFFFF  }
0x22: {  	p0 =	sne.s32 s0, $0x0;
	_ =	strace $0x90000047  }
0x23: {  	s0 =	sadd.s32 @!p0 $0x100000, s2;
	[bflag:$0x2] =	sbarrier.arrive $0xFFFF  }
0x24: {  	[sflag:s0] =	ssyncadd.tile.s32 @!p0 $0x1;
	_ =	shalt  }
.Lfunc_end2:
_tile_overlayer_lowered:
.L_overlay_start_2:
0x25: {  	(tag) =	ssettag $0x2  }
0x26: {  	s0 =	rddreg [dreg:$0x0];
	s2 =	stileid.u32  }
0x27: {  	s1 =	rddreg [dreg:$0x1];
	p0 =	sne.s32 s2, $0x0  }
0x28: {  	s3 =	rddreg [dreg:$0x2];
	[bflag:$0x3] =	sbarrier.arrive $0xFFFF;
	s2 =	simm.s32 @!p0 $0x1C02  }
0x29: {  	[timem:s3], [sflag:s2] =	dma.local @!p0 [hbm:s0], s1  }
0x2a: {  	s0 =	simm.s32 @!p0 $0x2  }
0x2b: {  	_ =	swait.ge @!p0 [sflag:s0], s1  }
0x2c: {  	s1 =	ssub.s32 @!p0 $0x0, s1;
	[sflag:s0] =	ssyncset.done @!p0 $0x0  }
0x2d: {  	[sflag:s0] =	ssyncadd.s32 @!p0 s1  }
0x2e: {  	[bflag:$0x3] =	sbarrier.arrive $0xFFFF  }
0x2f: {  	_ =	shalt  }

</sc_bundles>
